<compile_context>
chip_gen: v7x
topology: tpu7x:2x2x1
jax: 0.10.2.dev20260603
libtpu: 0.0.44.dev20260713+nightly
codegen_flags: <defaults>
</compile_context>

<pallas_src>
import functools

import jax
import jax.numpy as jnp
from jax import lax
from jax.experimental import pallas as pl
from jax.experimental.pallas import tpu as pltpu
from jax.experimental.pallas import tpu_sc as plsc

_P = 131072
_N_NEW = 8192
_START = 16384
_NC = 1
_NS = 16
_NW = _NC * _NS
_NB = 2
_WPB = _NW // _NB
_C = _P // _WPB
_KW = _START // _C
_OFF = _START - _KW * _C

_mesh = plsc.VectorSubcoreMesh(core_axis_name="core", subcore_axis_name="subcore",
                               num_cores=_NC)


@functools.partial(
    pl.kernel,
    out_type=(
        jax.ShapeDtypeStruct((_P,), jnp.int32),
        jax.ShapeDtypeStruct((_P,), jnp.int32),
    ),
    mesh=_mesh,
    compiler_params=pltpu.CompilerParams(needs_layout_passes=False),
    scratch_types=[
        pltpu.VMEM((_C,), jnp.int32),
        pltpu.SemaphoreType.DMA,
        pltpu.SemaphoreType.DMA,
    ],
)
def _sc_update(g_tok, g_sid, new_tok, new_sid,
               out_gt, out_gs, buf, sem_in, sem_out):
    wid = lax.axis_index("subcore") * _NC + lax.axis_index("core")
    k = lax.rem(wid, _WPB)
    base = k * _C
    bsel = lax.div(wid, _WPB)

    plan = (
        (g_tok, new_tok, out_gt, 0),
        (g_sid, new_sid, out_gs, 1),
    )
    for src, new, out, b in plan:
        @pl.when(bsel == b)
        def _(src=src, new=new, out=out):
            @pl.when(k == _KW)
            def _():
                if _OFF > 0:
                    pltpu.async_copy(src.at[pl.ds(_KW * _C, _OFF)],
                                     buf.at[pl.ds(0, _OFF)], sem_in)
                pltpu.async_copy(new, buf.at[pl.ds(_OFF, _N_NEW)], sem_in)
                if _OFF + _N_NEW < _C:
                    pltpu.async_copy(
                        src.at[pl.ds(_KW * _C + _OFF + _N_NEW, _C - _OFF - _N_NEW)],
                        buf.at[pl.ds(_OFF + _N_NEW, _C - _OFF - _N_NEW)], sem_in)

            @pl.when(k != _KW)
            def _():
                pltpu.async_copy(src.at[pl.ds(base, _C)], buf, sem_in)

            pltpu.make_async_copy(src.at[pl.ds(0, _C)], buf, sem_in).wait()
            pltpu.async_copy(buf, out.at[pl.ds(base, _C)], sem_out).wait()


def _tc_body(q_tok, q_sid, new_tok, new_sid, out_qt, out_qs):
    out_qt[...] = q_tok[...]
    out_qt[pl.ds(_START, _N_NEW)] = new_tok[...]
    out_qs[...] = q_sid[...]
    out_qs[pl.ds(_START, _N_NEW)] = new_sid[...]


_tc_update = pl.pallas_call(
    _tc_body,
    out_shape=(
        jax.ShapeDtypeStruct((_P,), jnp.int32),
        jax.ShapeDtypeStruct((_P,), jnp.int32),
    ),
)


def kernel(generated_tokens, generated_seq_ids, num_generated_tokens,
           queued_tokens, queued_seq_ids, num_queued_tokens,
           new_tokens, new_seq_ids, num_new_tokens):
    out_gt, out_gs = _sc_update(generated_tokens, generated_seq_ids,
                                new_tokens, new_seq_ids)
    out_qt, out_qs = _tc_update(queued_tokens, queued_seq_ids,
                                new_tokens, new_seq_ids)
    new_num_g = jnp.asarray(num_generated_tokens + num_new_tokens, jnp.int32)
    new_num_q = jnp.asarray(num_queued_tokens + num_new_tokens, jnp.int32)
    return (out_gt, out_gs, new_num_g, out_qt, out_qs, new_num_q)

# --- scband reference (transcript-rebuilt; emitter-appended) ---
"""Pipeline reference for scband-jit-scheduler-60069412602293 (READ-ONLY COPY).

The authoritative reference and input builder live on the scoring server;
editing this copy changes nothing except your own understanding.
"""

import jax, jax.numpy as jnp
import numpy as np

P = 131072
N_NEW = 8192


def masked_set(dest, start, src, num_to_copy):
    # jit-safe masked memcpy: dest[start:start+num_to_copy] = src[:num_to_copy]
    # out-of-range / masked lanes map to an OOB index and are dropped by the scatter.
    n = src.shape[0]
    offs = jnp.arange(n)
    pos = jnp.where(offs < num_to_copy, start + offs, dest.shape[0])
    return dest.at[pos].set(src, mode='drop')


def setup_inputs(seed: int = 0) -> dict:
    key = jax.random.key(seed)
    ks = jax.random.split(key, 6)
    return {
        'generated_tokens': jax.random.randint(ks[0], (P,), 0, 32000, dtype=jnp.int32),
        'generated_seq_ids': jax.random.randint(ks[1], (P,), 0, 128, dtype=jnp.int32),
        'num_generated_tokens': 16384,
        'queued_tokens': jax.random.randint(ks[2], (P,), 0, 32000, dtype=jnp.int32),
        'queued_seq_ids': jax.random.randint(ks[3], (P,), 0, 128, dtype=jnp.int32),
        'num_queued_tokens': 16384,
        'new_tokens': jax.random.randint(ks[4], (N_NEW,), 0, 32000, dtype=jnp.int32),
        'new_seq_ids': jax.random.randint(ks[5], (N_NEW,), 0, 128, dtype=jnp.int32),
        'num_new_tokens': 8192,
    }


def reference(generated_tokens, generated_seq_ids, num_generated_tokens,
              queued_tokens, queued_seq_ids, num_queued_tokens,
              new_tokens, new_seq_ids, num_new_tokens):
    # JitScheduler.update_after_sampling: scatter new tokens into the generated
    # buffers, then enqueue the same tokens into the queued buffers.
    new_g_tokens = masked_set(generated_tokens, num_generated_tokens, new_tokens, num_new_tokens)
    new_g_seq_ids = masked_set(generated_seq_ids, num_generated_tokens, new_seq_ids, num_new_tokens)
    new_num_generated = jnp.asarray(num_generated_tokens + num_new_tokens, dtype=jnp.int32)
    # enqueue_tokens
    new_q_tokens = masked_set(queued_tokens, num_queued_tokens, new_tokens, num_new_tokens)
    new_q_seq_ids = masked_set(queued_seq_ids, num_queued_tokens, new_seq_ids, num_new_tokens)
    new_num_queued = jnp.asarray(num_queued_tokens + num_new_tokens, dtype=jnp.int32)
    return (new_g_tokens, new_g_seq_ids, new_num_generated,
            new_q_tokens, new_q_seq_ids, new_num_queued)

if __name__ == "__main__":
    import jax
    _d = setup_inputs()
    print(jax.jit(kernel)(*tuple(_d.values())))

</pallas_src>

<mosaic_0001>
#map = affine_map<(d0, d1) -> (0)>
module attributes {stable_mosaic.version = 14 : i64} {
  func.func @_sc_update(%arg0: i32, %arg1: i32, %arg2: memref<131072xi32, #tpu.memory_space<hbm>>, %arg3: memref<131072xi32, #tpu.memory_space<hbm>>, %arg4: memref<8192xi32, #tpu.memory_space<hbm>>, %arg5: memref<8192xi32, #tpu.memory_space<hbm>>, %arg6: memref<131072xi32, #tpu.memory_space<hbm>>, %arg7: memref<131072xi32, #tpu.memory_space<hbm>>, %arg8: memref<16384xi32, #tpu.memory_space<vmem>>, %arg9: memref<!tpu.dma_semaphore, #tpu.memory_space<semaphore_mem>>, %arg10: memref<!tpu.dma_semaphore, #tpu.memory_space<semaphore_mem>>) attributes {dimension_semantics = [#tpu.dimension_semantics<core_parallel>, #tpu.dimension_semantics<subcore_parallel>], iteration_bounds = array<i64: 1, 16>, scalar_prefetch = 0 : i64, scratch_operands = 3 : i64, tpu.core_type = #tpu.core_type<sc_vector_subcore>, window_params = [{transform_indices = #map}, {transform_indices = #map}, {transform_indices = #map}, {transform_indices = #map}, {transform_indices = #map}, {transform_indices = #map}]} {
    %mul3A = arith.constant 1 : i32
    %mul3A_0 = arith.muli %arg1, %mul3A : i32
    %add3A = arith.addi %mul3A_0, %arg0 : i32
    %rem3A = arith.constant 8 : i32
    %rem3A_1 = arith.remsi %add3A, %rem3A : i32
    %mul3A_2 = arith.constant 16384 : i32
    %mul3A_3 = arith.muli %rem3A_1, %mul3A_2 : i32
    %div3A = arith.constant 8 : i32
    %div3A_4 = arith.divsi %add3A, %div3A : i32
    %eq3A = arith.constant 0 : i32
    %eq3A_5 = arith.cmpi eq, %div3A_4, %eq3A : i32
    %convert_element_type3A = arith.extui %eq3A_5 : i1 to i32
    %cond3A = arith.constant 0 : i32
    %cond3A_6 = arith.cmpi ne, %convert_element_type3A, %cond3A : i32
    scf.if %cond3A_6 {
      %eq3A_12 = arith.constant 1 : i32
      %eq3A_13 = arith.cmpi eq, %rem3A_1, %eq3A_12 : i32
      %convert_element_type3A_14 = arith.extui %eq3A_13 : i1 to i32
      %cond3A_15 = arith.constant 0 : i32
      %cond3A_16 = arith.cmpi ne, %convert_element_type3A_14, %cond3A_15 : i32
      scf.if %cond3A_16 {
        %dma_start3A_27 = arith.constant 0 : i32
        %dma_start3A_28 = tpu.memref_slice %arg8[%dma_start3A_27] : memref<16384xi32, #tpu.memory_space<vmem>> -> memref<8192xi32, #tpu.memory_space<vmem>>
        %dma_start3A_29 = arith.constant 0 : i32
        %dma_start3A_30 = tpu.memref_slice %arg8[%dma_start3A_29] : memref<16384xi32, #tpu.memory_space<vmem>> -> memref<8192xi32, #tpu.memory_space<vmem>>
        tpu.enqueue_dma source(%arg4 : memref<8192xi32, #tpu.memory_space<hbm>>) target(%dma_start3A_30 : memref<8192xi32, #tpu.memory_space<vmem>>) target_semaphore(%arg9 : memref<!tpu.dma_semaphore, #tpu.memory_space<semaphore_mem>>)
        %dma_start3A_31 = arith.constant 8192 : i32
        %dma_start3A_32 = tpu.memref_slice %arg8[%dma_start3A_31] : memref<16384xi32, #tpu.memory_space<vmem>> -> memref<8192xi32, #tpu.memory_space<vmem>>
        %dma_start3A_33 = arith.constant 24576 : i32
        %dma_start3A_34 = tpu.memref_slice %arg2[%dma_start3A_33] : memref<131072xi32, #tpu.memory_space<hbm>> -> memref<8192xi32, #tpu.memory_space<hbm>>
        %dma_start3A_35 = arith.constant 8192 : i32
        %dma_start3A_36 = tpu.memref_slice %arg8[%dma_start3A_35] : memref<16384xi32, #tpu.memory_space<vmem>> -> memref<8192xi32, #tpu.memory_space<vmem>>
        %dma_start3A_37 = arith.constant 24576 : i32
        %dma_start3A_38 = tpu.memref_slice %arg2[%dma_start3A_37] : memref<131072xi32, #tpu.memory_space<hbm>> -> memref<8192xi32, #tpu.memory_space<hbm>>
        tpu.enqueue_dma source(%dma_start3A_38 : memref<8192xi32, #tpu.memory_space<hbm>>) target(%dma_start3A_36 : memref<8192xi32, #tpu.memory_space<vmem>>) target_semaphore(%arg9 : memref<!tpu.dma_semaphore, #tpu.memory_space<semaphore_mem>>)
      } else {
      }
      %ne3A = arith.constant 1 : i32
      %ne3A_17 = arith.cmpi ne, %rem3A_1, %ne3A : i32
      %convert_element_type3A_18 = arith.extui %ne3A_17 : i1 to i32
      %cond3A_19 = arith.constant 0 : i32
      %cond3A_20 = arith.cmpi ne, %convert_element_type3A_18, %cond3A_19 : i32
      scf.if %cond3A_20 {
        %dma_start3A_27 = tpu.memref_slice %arg2[%mul3A_3] : memref<131072xi32, #tpu.memory_space<hbm>> -> memref<16384xi32, #tpu.memory_space<hbm>>
        %dma_start3A_28 = tpu.memref_slice %arg2[%mul3A_3] : memref<131072xi32, #tpu.memory_space<hbm>> -> memref<16384xi32, #tpu.memory_space<hbm>>
        tpu.enqueue_dma source(%dma_start3A_28 : memref<16384xi32, #tpu.memory_space<hbm>>) target(%arg8 : memref<16384xi32, #tpu.memory_space<vmem>>) target_semaphore(%arg9 : memref<!tpu.dma_semaphore, #tpu.memory_space<semaphore_mem>>)
      } else {
      }
      %dma_wait3A = arith.constant 0 : i32
      %dma_wait3A_21 = tpu.memref_slice %arg2[%dma_wait3A] : memref<131072xi32, #tpu.memory_space<hbm>> -> memref<16384xi32, #tpu.memory_space<hbm>>
      %dma_wait3A_22 = arith.constant 0 : i32
      %dma_wait3A_23 = tpu.memref_slice %arg2[%dma_wait3A_22] : memref<131072xi32, #tpu.memory_space<hbm>> -> memref<16384xi32, #tpu.memory_space<hbm>>
      tpu.wait_dma2 semaphore(%arg9 : memref<!tpu.dma_semaphore, #tpu.memory_space<semaphore_mem>>) src(%dma_wait3A_23 : memref<16384xi32, #tpu.memory_space<hbm>>) dst(%arg8 : memref<16384xi32, #tpu.memory_space<vmem>>)
      %dma_start3A = tpu.memref_slice %arg6[%mul3A_3] : memref<131072xi32, #tpu.memory_space<hbm>> -> memref<16384xi32, #tpu.memory_space<hbm>>
      %dma_start3A_24 = tpu.memref_slice %arg6[%mul3A_3] : memref<131072xi32, #tpu.memory_space<hbm>> -> memref<16384xi32, #tpu.memory_space<hbm>>
      tpu.enqueue_dma source(%arg8 : memref<16384xi32, #tpu.memory_space<vmem>>) target(%dma_start3A_24 : memref<16384xi32, #tpu.memory_space<hbm>>) target_semaphore(%arg10 : memref<!tpu.dma_semaphore, #tpu.memory_space<semaphore_mem>>)
      %dma_wait3A_25 = tpu.memref_slice %arg6[%mul3A_3] : memref<131072xi32, #tpu.memory_space<hbm>> -> memref<16384xi32, #tpu.memory_space<hbm>>
      %dma_wait3A_26 = tpu.memref_slice %arg6[%mul3A_3] : memref<131072xi32, #tpu.memory_space<hbm>> -> memref<16384xi32, #tpu.memory_space<hbm>>
      tpu.wait_dma2 semaphore(%arg10 : memref<!tpu.dma_semaphore, #tpu.memory_space<semaphore_mem>>) src(%arg8 : memref<16384xi32, #tpu.memory_space<vmem>>) dst(%dma_wait3A_26 : memref<16384xi32, #tpu.memory_space<hbm>>)
    } else {
    }
    %eq3A_7 = arith.constant 1 : i32
    %eq3A_8 = arith.cmpi eq, %div3A_4, %eq3A_7 : i32
    %convert_element_type3A_9 = arith.extui %eq3A_8 : i1 to i32
    %cond3A_10 = arith.constant 0 : i32
    %cond3A_11 = arith.cmpi ne, %convert_element_type3A_9, %cond3A_10 : i32
    scf.if %cond3A_11 {
      %eq3A_12 = arith.constant 1 : i32
      %eq3A_13 = arith.cmpi eq, %rem3A_1, %eq3A_12 : i32
      %convert_element_type3A_14 = arith.extui %eq3A_13 : i1 to i32
      %cond3A_15 = arith.constant 0 : i32
      %cond3A_16 = arith.cmpi ne, %convert_element_type3A_14, %cond3A_15 : i32
      scf.if %cond3A_16 {
        %dma_start3A_27 = arith.constant 0 : i32
        %dma_start3A_28 = tpu.memref_slice %arg8[%dma_start3A_27] : memref<16384xi32, #tpu.memory_space<vmem>> -> memref<8192xi32, #tpu.memory_space<vmem>>
        %dma_start3A_29 = arith.constant 0 : i32
        %dma_start3A_30 = tpu.memref_slice %arg8[%dma_start3A_29] : memref<16384xi32, #tpu.memory_space<vmem>> -> memref<8192xi32, #tpu.memory_space<vmem>>
        tpu.enqueue_dma source(%arg5 : memref<8192xi32, #tpu.memory_space<hbm>>) target(%dma_start3A_30 : memref<8192xi32, #tpu.memory_space<vmem>>) target_semaphore(%arg9 : memref<!tpu.dma_semaphore, #tpu.memory_space<semaphore_mem>>)
        %dma_start3A_31 = arith.constant 8192 : i32
        %dma_start3A_32 = tpu.memref_slice %arg8[%dma_start3A_31] : memref<16384xi32, #tpu.memory_space<vmem>> -> memref<8192xi32, #tpu.memory_space<vmem>>
        %dma_start3A_33 = arith.constant 24576 : i32
        %dma_start3A_34 = tpu.memref_slice %arg3[%dma_start3A_33] : memref<131072xi32, #tpu.memory_space<hbm>> -> memref<8192xi32, #tpu.memory_space<hbm>>
        %dma_start3A_35 = arith.constant 8192 : i32
        %dma_start3A_36 = tpu.memref_slice %arg8[%dma_start3A_35] : memref<16384xi32, #tpu.memory_space<vmem>> -> memref<8192xi32, #tpu.memory_space<vmem>>
        %dma_start3A_37 = arith.constant 24576 : i32
        %dma_start3A_38 = tpu.memref_slice %arg3[%dma_start3A_37] : memref<131072xi32, #tpu.memory_space<hbm>> -> memref<8192xi32, #tpu.memory_space<hbm>>
        tpu.enqueue_dma source(%dma_start3A_38 : memref<8192xi32, #tpu.memory_space<hbm>>) target(%dma_start3A_36 : memref<8192xi32, #tpu.memory_space<vmem>>) target_semaphore(%arg9 : memref<!tpu.dma_semaphore, #tpu.memory_space<semaphore_mem>>)
      } else {
      }
      %ne3A = arith.constant 1 : i32
      %ne3A_17 = arith.cmpi ne, %rem3A_1, %ne3A : i32
      %convert_element_type3A_18 = arith.extui %ne3A_17 : i1 to i32
      %cond3A_19 = arith.constant 0 : i32
      %cond3A_20 = arith.cmpi ne, %convert_element_type3A_18, %cond3A_19 : i32
      scf.if %cond3A_20 {
        %dma_start3A_27 = tpu.memref_slice %arg3[%mul3A_3] : memref<131072xi32, #tpu.memory_space<hbm>> -> memref<16384xi32, #tpu.memory_space<hbm>>
        %dma_start3A_28 = tpu.memref_slice %arg3[%mul3A_3] : memref<131072xi32, #tpu.memory_space<hbm>> -> memref<16384xi32, #tpu.memory_space<hbm>>
        tpu.enqueue_dma source(%dma_start3A_28 : memref<16384xi32, #tpu.memory_space<hbm>>) target(%arg8 : memref<16384xi32, #tpu.memory_space<vmem>>) target_semaphore(%arg9 : memref<!tpu.dma_semaphore, #tpu.memory_space<semaphore_mem>>)
      } else {
      }
      %dma_wait3A = arith.constant 0 : i32
      %dma_wait3A_21 = tpu.memref_slice %arg3[%dma_wait3A] : memref<131072xi32, #tpu.memory_space<hbm>> -> memref<16384xi32, #tpu.memory_space<hbm>>
      %dma_wait3A_22 = arith.constant 0 : i32
      %dma_wait3A_23 = tpu.memref_slice %arg3[%dma_wait3A_22] : memref<131072xi32, #tpu.memory_space<hbm>> -> memref<16384xi32, #tpu.memory_space<hbm>>
      tpu.wait_dma2 semaphore(%arg9 : memref<!tpu.dma_semaphore, #tpu.memory_space<semaphore_mem>>) src(%dma_wait3A_23 : memref<16384xi32, #tpu.memory_space<hbm>>) dst(%arg8 : memref<16384xi32, #tpu.memory_space<vmem>>)
      %dma_start3A = tpu.memref_slice %arg7[%mul3A_3] : memref<131072xi32, #tpu.memory_space<hbm>> -> memref<16384xi32, #tpu.memory_space<hbm>>
      %dma_start3A_24 = tpu.memref_slice %arg7[%mul3A_3] : memref<131072xi32, #tpu.memory_space<hbm>> -> memref<16384xi32, #tpu.memory_space<hbm>>
      tpu.enqueue_dma source(%arg8 : memref<16384xi32, #tpu.memory_space<vmem>>) target(%dma_start3A_24 : memref<16384xi32, #tpu.memory_space<hbm>>) target_semaphore(%arg10 : memref<!tpu.dma_semaphore, #tpu.memory_space<semaphore_mem>>)
      %dma_wait3A_25 = tpu.memref_slice %arg7[%mul3A_3] : memref<131072xi32, #tpu.memory_space<hbm>> -> memref<16384xi32, #tpu.memory_space<hbm>>
      %dma_wait3A_26 = tpu.memref_slice %arg7[%mul3A_3] : memref<131072xi32, #tpu.memory_space<hbm>> -> memref<16384xi32, #tpu.memory_space<hbm>>
      tpu.wait_dma2 semaphore(%arg10 : memref<!tpu.dma_semaphore, #tpu.memory_space<semaphore_mem>>) src(%arg8 : memref<16384xi32, #tpu.memory_space<vmem>>) dst(%dma_wait3A_26 : memref<16384xi32, #tpu.memory_space<hbm>>)
    } else {
    }
    return
  }
}

module attributes {stable_mosaic.version = 14 : i64} {
  func.func @_tc_body(%arg0: memref<131072xi32, #tpu.memory_space<vmem>>, %arg1: memref<131072xi32, #tpu.memory_space<vmem>>, %arg2: memref<8192xi32, #tpu.memory_space<vmem>>, %arg3: memref<8192xi32, #tpu.memory_space<vmem>>, %arg4: memref<131072xi32, #tpu.memory_space<vmem>>, %arg5: memref<131072xi32, #tpu.memory_space<vmem>>) attributes {dimension_semantics = [], scalar_prefetch = 0 : i64, scratch_operands = 0 : i64, tpu.core_type = #tpu.core_type<tc>} {
    %get3A = arith.constant 0 : index
    %get3A_0 = vector.load %arg0[%get3A] : memref<131072xi32, #tpu.memory_space<vmem>>, vector<131072xi32>
    %swap3A = arith.constant 0 : index
    %swap3A_1 = vector.load %arg4[%swap3A] : memref<131072xi32, #tpu.memory_space<vmem>>, vector<131072xi32>
    tpu.vector_store %arg4[%swap3A], %get3A_0 {strides = array<i32>} : memref<131072xi32, #tpu.memory_space<vmem>>, vector<131072xi32>,
    %get3A_2 = arith.constant 0 : index
    %get3A_3 = vector.load %arg2[%get3A_2] : memref<8192xi32, #tpu.memory_space<vmem>>, vector<8192xi32>
    %swap3A_4 = arith.constant 16384 : index
    %swap3A_5 = vector.load %arg4[%swap3A_4] : memref<131072xi32, #tpu.memory_space<vmem>>, vector<8192xi32>
    tpu.vector_store %arg4[%swap3A_4], %get3A_3 {strides = array<i32>} : memref<131072xi32, #tpu.memory_space<vmem>>, vector<8192xi32>,
    %get3A_6 = arith.constant 0 : index
    %get3A_7 = vector.load %arg1[%get3A_6] : memref<131072xi32, #tpu.memory_space<vmem>>, vector<131072xi32>
    %swap3A_8 = arith.constant 0 : index
    %swap3A_9 = vector.load %arg5[%swap3A_8] : memref<131072xi32, #tpu.memory_space<vmem>>, vector<131072xi32>
    tpu.vector_store %arg5[%swap3A_8], %get3A_7 {strides = array<i32>} : memref<131072xi32, #tpu.memory_space<vmem>>, vector<131072xi32>,
    %get3A_10 = arith.constant 0 : index
    %get3A_11 = vector.load %arg3[%get3A_10] : memref<8192xi32, #tpu.memory_space<vmem>>, vector<8192xi32>
    %swap3A_12 = arith.constant 16384 : index
    %swap3A_13 = vector.load %arg5[%swap3A_12] : memref<131072xi32, #tpu.memory_space<vmem>>, vector<8192xi32>
    tpu.vector_store %arg5[%swap3A_12], %get3A_11 {strides = array<i32>} : memref<131072xi32, #tpu.memory_space<vmem>>, vector<8192xi32>,
    return
  }
}

</mosaic_0001>

<sc_bundles>
// kernel: kernel.4.cloned.1.call-start
scs
__scs_entry_jumppad:
0x0: {  	(pc) =	sbr.rel $0x88, $3  }
0x1: {  	(tag) =	ssettag $0x0;
	lr =	simm.s32 $0x1  }
0x2: {  	[smem:$0x3F98] =	sst lr;
	_ =	strace $0xD0000000  }
0x3: {  	_ = 	snop  }
0x4: {  	_ = 	snop  }
0x5: {  	_ = 	snop  }
0x6: {  	_ = 	snop  }
0x7: {  	_ = 	snop  }
__scs_overlays_trampoline_lowered:
0x8: {  	[smem:$0x3FA7] =	sst s0  }
0x9: {  	[smem:$0x3FA8] =	sst s1  }
0xa: {  	[smem:$0x3FA9] =	sst s2  }
0xb: {  	[smem:$0x3FAA] =	sst s3  }
0xc: {  	[smem:$0x3FAB] =	sst s4  }
0xd: {  	[smem:$0x3FAC] =	sst s5  }
0xe: {  	[smem:$0x3FAD] =	sst s6  }
0xf: {  	[smem:$0x3FAE] =	sst s7  }
0x10: {  	[smem:$0x3FAF] =	sst s8  }
0x11: {  	[smem:$0x3FB0] =	sst s9;
	s0 =	simm.s32 @!p0 $0x0  }
0x12: {  	s1 =	sld [smem:$0x3F96];
	s0 =	simm.s32 @p0 $0x1  }
0x13: {  	[smem:$0x3FB1] =	sst s0;
	s0 =	simm.s32 @!p1 $0x0  }
0x14: {  	s2 =	sld [smem:$0x3F95];
	s0 =	simm.s32 @p1 $0x1  }
0x15: {  	[smem:$0x3FB2] =	sst s0;
	s0 =	simm.s32 @!p2 $0x0  }
0x16: {  	s3 =	sld [smem:$0x3FDB];
	s0 =	simm.s32 @p2 $0x1  }
0x17: {  	s4 =	simm.s32 $0x1BF5;
	[smem:$0x3FB4] =	sst s0  }
0x18: {  	s0 =	sld [smem:$0x3F97];
	_ =	swait.ge [sflag:s4], $0x0  }
0x19: {  	s7 =	sld [smem:$0x3F98]  }
0x1a: {  	s8 =	sadd.s32 $0xFFFFE003, lr  }
0x1b: {  	s9 =	sadd.s32 $0xFFFFFEF7, lr;
	s5 =	simm.s32 $0xFFFFFFFF;
	p2 =	slt.u32 s8, $0xFFFFF086  }
0x1c: {  	p1 =	slt.u32 s9, $0xF7A;
	s5 =	simm.s32 @!p2 $0x0  }
0x1d: {  	s5 =	simm.s32 @p1 $0x1;
	p0 =	seq.s32 s7, s2  }
0x1e: {  	s7 =	smul.u32 @!p0 $0xF7A, s2;
	p2 =	seq.s32 @!p0 s5, $0x0  }
0x1f: {  	s9 =	smul.u32 $0xF7A, s1;
	s8 =	simm.s32 @!p0 $0x1BF5;
	p2 =	por !p2, p0  }
0x20: {  	[sflag:s8] =	ssyncset.s32 @!p0 $0xFFFFF086;
	s6 =	sadd.s32 @!p0 s3, s7;
	s7 =	simm.s32 @!p0 $0x108  }
0x21: {  	s3 =	sadd.s32 s3, s9;
	s6 =	sadd.s32 @!p0 $0x88, s6;
	s7 =	simm.s32 @p2 $0x1082  }
0x22: {  	[simem:s7], [sflag:s8] =	dma.local @!p0 [hbm:s6], $0xF7A  }
0x23: {  	s9 =	sor.u32 $0xD0000000, s2;
	s6 =	simm.s32 $0x108;
	_ =	swait.ge @!p0 [sflag:s8], $0x0  }
0x24: {  	s3 =	sadd.s32 $0x88, s3;
	s6 =	simm.s32 @!p1 $0x1082;
	[sflag:s4] =	ssyncset.s32 $0xFFFFF086  }
0x25: {  	[simem:s6], [sflag:s4] =	dma.local [hbm:s3], $0xF7A  }
0x26: {  	[smem:$0x3F98] =	sst s1;
	(tag) =	ssettag s2;
	_ =	strace s9  }
0x27: {  	s1 =	sld [smem:$0x3FA8]  }
0x28: {  	s2 =	sld [smem:$0x3FA9]  }
0x29: {  	s4 =	sld [smem:$0x3FAB]  }
0x2a: {  	p0 =	seq.s32 s5, $0x0;
	s5 =	sld [smem:$0x3FAC]  }
0x2b: {  	s6 =	sld [smem:$0x3FAD]  }
0x2c: {  	s7 =	sld [smem:$0x3FAE]  }
0x2d: {  	s3 =	simm.s32 $0x108;
	s8 =	sld [smem:$0x3FAF]  }
0x2e: {  	s3 =	simm.s32 @!p0 $0x1082;
	s9 =	sld [smem:$0x3FB0]  }
0x2f: {  	lr =	sadd.s32 s0, s3;
	s0 =	sld [smem:$0x3FA7]  }
0x30: {  	s3 =	sld [smem:$0x3FAA]  }
0x31: {  	[smem:$0x3FB3] =	sst s10  }
0x32: {  	s10 =	sld [smem:$0x3FB1];
	_ =	sdelay $0x3  }
0x33: {  	p0 =	seq.s32 s10, $0x1;
	s10 =	sld [smem:$0x3FB3];
	_ =	sdelay $0x3  }
0x34: {  	[smem:$0x3FB3] =	sst s10  }
0x35: {  	s10 =	sld [smem:$0x3FB2];
	_ =	sdelay $0x3  }
0x36: {  	p1 =	seq.s32 s10, $0x1;
	s10 =	sld [smem:$0x3FB3];
	_ =	sdelay $0x3  }
0x37: {  	[smem:$0x3FB3] =	sst s10  }
0x38: {  	s10 =	sld [smem:$0x3FB4]  }
0x39: {  	_ = 	snop;
	(pc) =	sbr.ind lr, $3  }
0x3a: {  	_ = 	snop  }
0x3b: {  	_ = 	snop  }
0x3c: {  	p2 =	seq.s32 s10, $0x1;
	s10 =	sld [smem:$0x3FB3]  }
0x3d: {  	_ =	shalt  }
0x3e: {  	_ =	shalt  }
0x3f: {  	_ =	shalt  }
0x40: {  	_ =	shalt  }
0x41: {  	_ =	shalt  }
0x42: {  	_ =	shalt  }
0x43: {  	_ =	shalt  }
0x44: {  	_ =	shalt  }
0x45: {  	_ =	shalt  }
0x46: {  	_ =	shalt  }
0x47: {  	_ =	shalt  }
0x48: {  	_ =	shalt  }
0x49: {  	_ =	shalt  }
0x4a: {  	_ =	shalt  }
0x4b: {  	_ =	shalt  }
0x4c: {  	_ =	shalt  }
0x4d: {  	_ =	shalt  }
0x4e: {  	_ =	shalt  }
0x4f: {  	_ =	shalt  }
0x50: {  	_ =	shalt  }
0x51: {  	_ =	shalt  }
0x52: {  	_ =	shalt  }
0x53: {  	_ =	shalt  }
0x54: {  	_ =	shalt  }
0x55: {  	_ =	shalt  }
0x56: {  	_ =	shalt  }
0x57: {  	_ =	shalt  }
0x58: {  	_ =	shalt  }
0x59: {  	_ =	shalt  }
0x5a: {  	_ =	shalt  }
0x5b: {  	_ =	shalt  }
0x5c: {  	_ =	shalt  }
0x5d: {  	_ =	shalt  }
0x5e: {  	_ =	shalt  }
0x5f: {  	_ =	shalt  }
0x60: {  	_ =	shalt  }
0x61: {  	_ =	shalt  }
0x62: {  	_ =	shalt  }
0x63: {  	_ =	shalt  }
0x64: {  	_ =	shalt  }
0x65: {  	_ =	shalt  }
0x66: {  	_ =	shalt  }
0x67: {  	_ =	shalt  }
0x68: {  	_ =	shalt  }
0x69: {  	_ =	shalt  }
0x6a: {  	_ =	shalt  }
0x6b: {  	_ =	shalt  }
0x6c: {  	_ =	shalt  }
0x6d: {  	_ =	shalt  }
0x6e: {  	_ =	shalt  }
0x6f: {  	_ =	shalt  }
0x70: {  	_ =	shalt  }
0x71: {  	_ =	shalt  }
0x72: {  	_ =	shalt  }
0x73: {  	_ =	shalt  }
0x74: {  	_ =	shalt  }
0x75: {  	_ =	shalt  }
0x76: {  	_ =	shalt  }
0x77: {  	_ =	shalt  }
0x78: {  	_ =	shalt  }
0x79: {  	_ =	shalt  }
0x7a: {  	_ =	shalt  }
0x7b: {  	_ =	shalt  }
0x7c: {  	_ =	shalt  }
0x7d: {  	_ =	shalt  }
0x7e: {  	_ =	shalt  }
0x7f: {  	_ =	shalt  }
0x80: {  	_ =	shalt  }
0x81: {  	_ =	shalt  }
0x82: {  	_ =	shalt  }
0x83: {  	_ =	shalt  }
0x84: {  	_ =	shalt  }
0x85: {  	_ =	shalt  }
0x86: {  	_ =	shalt  }
0x87: {  	_ =	shalt  }
.Lfunc_end0:
.L_simem_size_0:
called_computation_lowered:
.L_overlay_start_0:
0x88: {  	s0 =	sld [smem:$0x3FD9]  }
0x89: {  	s1 =	sld [smem:$0x3FFE];
	_ =	sdelay $0x3  }
0x8a: {  	s0 =	sadd.s32 s1, s0  }
0x8b: {  	[smem:$0x3FBF] =	sst s0  }
0x8c: {  	_ = 	snop  }
0x8d: {  	s0 =	sld [smem:$0x3FC9]  }
0x8e: {  	s14 =	sld [smem:$0x3FD0]  }
0x8f: {  	s2 =	sld [smem:$0x3FC8]  }
0x90: {  	s3 =	sld [smem:$0x3FC3]  }
0x91: {  	s5 =	simm.s32 $0xA;
	s6 =	simm.s32 $0x10;
	s4 =	sld [smem:$0x3FC2]  }
0x92: {  	[smem:s6], [sflag:s5] =	dma.local [hbm:s14], $0x1  }
0x93: {  	_ =	swait.eq [sflag:s5], $0x1  }
0x94: {  	[sflag:s5] =	ssyncset.done $0x0  }
0x95: {  	s15 =	sld [smem:$0x10];
	[sflag:s5] =	ssyncadd.s32 $0xFFFFFFFF  }
0x96: {  	s16 =	sld [smem:$0x11];
	(tm) =	ssettm $0x1  }
0x97: {  	s17 =	sld [smem:$0x3FFB];
	_ =	sdelay $0x3  }
0x98: {  	_ =	strace s17  }
0x99: {  	s6 =	sld [smem:$0x3FFC];
	_ =	sdelay $0x3  }
0x9a: {  	_ =	strace s6  }
0x9b: {  	s6 =	sld [smem:$0x3FFD];
	_ =	sdelay $0x3  }
0x9c: {  	_ =	strace s6  }
0x9d: {  	_ =	strace $0x8FFFFFFF  }
0x9e: {  	s18 =	sld [smem:$0x3FDB];
	_ =	sdelay $0x1  }
0x9f: {  	s7 =	simm.s32 $_scs_section_size  }
0xa0: {  	s8 =	simm.s32 $_size__tile_overlayer_lowered;
	s9 =	simm.s32 $_tile_overlayer_lowered  }
0xa1: {  	s21 =	simm.s32 $0x1BFF;
	s20 =	sshll.u32 s9, $0x1;
	s6 =	sadd.s32 s7, s18  }
0xa2: {  	s10 =	simm.s32 $0x0;
	s19 =	sshll.u32 s8, $0x1;
	s8 =	sadd.s32 s20, s6  }
0xa3: {  	[timem:s10], [sflag:s21] =	dma.local [hbm:s8], s19  }
0xa4: {  	_ =	swait.ge [sflag:s21], s19  }
0xa5: {  	s7 =	ssub.s32 $0x0, s19;
	[sflag:s21] =	ssyncset.done $0x0  }
0xa6: {  	[sflag:s21] =	ssyncadd.s32 s7;
	_ =	sdelay $0x1  }
0xa7: {  	s22 =	simm.s32 $0x1B8B  }
0xa8: {  	_ =	swait.ge [sflag:s22], $0x1  }
0xa9: {  	[sflag:s22] =	ssyncset.done $0x0  }
0xaa: {  	s23 =	simm.s32 $0x1B8E;
	[sflag:s22] =	ssyncadd.s32 $0xFFFFFFFF  }
0xab: {  	s24 =	simm.s32 $execute0_lowered;
	[smem:$0x3FD2] =	sst s23  }
0xac: {  	s7 =	sshll.u32 s24, $0x1;
	_ =	strace $0x80000046;
	[dreg:$0x1] =	wrdreg $0xFFFFFFFF  }
0xad: {  	s25 =	simm.s32 $_size_execute0_lowered;
	s6 =	sadd.s32 s6, s7;
	[dreg:$0x0] =	wrdreg $0x0  }
0xae: {  	s7 =	sshll.u32 s25, $0x1;
	[dreg:$0x2] =	wrdreg s6  }
0xaf: {  	[dreg:$0x3] =	wrdreg s7  }
0xb0: {  	[dreg:$0x4] =	wrdreg $0xC0  }
0xb1: {  	_ =	task [dreg:s10], $0x5FFFF  }
0xb2: {  	[dreg:$0x1] =	wrdreg $0xFFFFFFFF  }
0xb3: {  	[dreg:$0x0] =	wrdreg $0x60  }
0xb4: {  	[dreg:$0x2] =	wrdreg s0  }
0xb5: {  	[dreg:$0x3] =	wrdreg s2  }
0xb6: {  	[dreg:$0x4] =	wrdreg s3  }
0xb7: {  	[dreg:$0x5] =	wrdreg s4  }
0xb8: {  	[dreg:$0x6] =	wrdreg s15  }
0xb9: {  	[dreg:$0x7] =	wrdreg s16  }
0xba: {  	[dreg:$0x8] =	wrdreg $0x9  }
0xbb: {  	_ =	task.clear_ibuf [dreg:s10], $0x9FFFF;
	_ =	strace $0x90000046  }
0xbc: {  	s26 =	simm.s32 $0x9;
	_ =	strace $0x80000048  }
0xbd: {  	_ =	swait.ge [sflag:s26], $0x1  }
0xbe: {  	[sflag:s26] =	ssyncadd.s32 $0xFFFFFFFF  }
0xbf: {  	_ =	strace $0x90000048  }
0xc0: {  	_ =	sfence  }
0xc1: {  	s28 =	sld [smem:$0x0];
	_ =	sdelay $0x1  }
0xc2: {  	s29 =	srdreg.scid  }
0xc3: {  	s30 =	sshll.u32 s29, $0xD;
	s31 =	sshrl.u32 s29, $0x2  }
0xc4: {  	s1 =	sand.u32 $0x1, s29;
	s2 =	sand.u32 $0x4000, s30;
	s0 =	sadd.s32 s31, s28  }
0xc5: {  	s1 =	sor.u32 s2, s1;
	s0 =	sshll.u32 s0, $0x11  }
0xc6: {  	s0 =	sor.u32 s0, s1  }
0xc7: {  	s0 =	sadd.s32 $0x8F2B, s0  }
0xc8: {  	[sflag:s0] =	ssyncadd.remote.s32 $0x1  }
0xc9: {  	_ =	sfence.sel $0xFFFF  }
0xca: {  	[dreg:$0x0] =	wrdreg $0xFFFFFFFF;
	(pc) =	sbr.abs _section_cstart, $3  }
0xcb: {  	[dreg:$0x1] =	wrdreg $0xFFFFFFFF  }
0xcc: {  	_ =	task.clear_ibuf [dreg:s10], $0x2FFFF;
	_ =	strace $0x9FFFFFFF  }
0xcd: {  	(tm) =	ssettm $0x7FFFFFFF  }
tec
execute0_lowered:
.L_overlay_start_1:
0x0: {  	(tag) =	ssettag $0x1  }
0x1: {  	s0 =	rddreg [dreg:$0x0]  }
0x2: {  	s1 =	rddreg [dreg:$0x1]  }
0x3: {  	s2 =	rddreg [dreg:$0x2]  }
0x4: {  	s3 =	rddreg [dreg:$0x3]  }
0x5: {  	s4 =	rddreg [dreg:$0x4]  }
0x6: {  	s6 =	rddreg [dreg:$0x5]  }
0x7: {  	s5 =	stileid.u32;
	s8 =	rddreg [dreg:$0x6]  }
0x8: {  	s9 =	simm.s32 $0x0;
	s7 =	sand.u32 $0x7, s5;
	p0 =	sgt.u32 s5, $0x7  }
0x9: {  	[smem:$0x7FF] =	sst s9;
	p1 =	sne.s32 @p0 s7, $0x1  }
0xa: {  	s10 =	sshll.u32 s7, $0xB;
	_ =	strace $0x80000047;
	p2 =	por !p1, !p0  }
0xb: {  	s11 =	sadd.s32 s1, s10;
	p1 =	por p1, !p0;
	s12 =	simm.s32 @!p2 $0x0  }
0xc: {  	[tilespmem:s12], [sflag:$0x1] =	stream.linear.gather @!p2 [hbm4b:s11+s12], $0x4000, $0x38;
	[tilespmem:$0x4000] =	vst v63  }
0xd: {  	s11 =	simm.s32 @!p1 $0x0  }
0xe: {  	[tilespmem:s11], [sflag:$0x1] =	stream.linear.gather @!p1 [hbm4b:s3+s11], $0x2000, $0x38;
	[tilespmem:$0x4000] =	vst v63  }
0xf: {  	s1 =	sadd.s32 $0xC00, s1;
	s3 =	simm.s32 @!p1 $0x2000  }
0x10: {  	[tilespmem:s3], [sflag:$0x1] =	stream.linear.gather @!p1 [hbm4b:s1+s11], $0x2000, $0x38;
	[tilespmem:$0x4000] =	vst v63  }
0x11: {  	p1 =	sne.s32 @!p0 s7, $0x1  }
0x12: {  	p2 =	por !p1, p0  }
0x13: {  	s1 =	sadd.s32 s0, s10;
	p1 =	por p1, p0;
	s3 =	simm.s32 @!p2 $0x0  }
0x14: {  	[tilespmem:s3], [sflag:$0x1] =	stream.linear.gather @!p2 [hbm4b:s1+s3], $0x4000, $0x38;
	[tilespmem:$0x4000] =	vst v63  }
0x15: {  	s1 =	simm.s32 @!p1 $0x0  }
0x16: {  	[tilespmem:s1], [sflag:$0x1] =	stream.linear.gather @!p1 [hbm4b:s2+s1], $0x2000, $0x38;
	[tilespmem:$0x4000] =	vst v63  }
0x17: {  	s29 =	simm.s32 $0x1;
	s0 =	sadd.s32 $0xC00, s0;
	s2 =	simm.s32 @!p1 $0x2000  }
0x18: {  	[tilespmem:s2], [sflag:$0x1] =	stream.linear.gather @!p1 [hbm4b:s0+s1], $0x2000, $0x38;
	[tilespmem:$0x4000] =	vst v63  }
0x19: {  	_ =	swait.ge [sflag:s29], $0x4000  }
0x1a: {  	s4 =	smov.u32 @p0 s6;
	[sflag:s29] =	ssyncset.done $0x0  }
0x1b: {  	s31 =	simm.s32 $0x2;
	s30 =	sadd.s32 s4, s10;
	[sflag:s29] =	ssyncadd.s32 $0xFFFFC000  }
0x1c: {  	[hbm4b:s30+s9] =	stream.linear.scatter [tilespmem:s9], [sflag:$0x2], $0x4000, $0x38;
	[tilespmem:$0x4000] =	vst v63  }
0x1d: {  	_ =	swait.ge [sflag:s31], $0x4000  }
0x1e: {  	[sflag:s31] =	ssyncset.done $0x0  }
0x1f: {  	[sflag:s31] =	ssyncadd.s32 $0xFFFFC000  }
0x20: {  	_ =	sfence.sel $0x180000  }
0x21: {  	[bflag:$0x0] =	sbarrier.arrive $0xFFFF  }
0x22: {  	p0 =	sne.s32 s5, $0x0;
	_ =	strace $0x90000047  }
0x23: {  	s0 =	sadd.s32 @!p0 $0x100000, s8;
	[bflag:$0x2] =	sbarrier.arrive $0xFFFF  }
0x24: {  	[sflag:s0] =	ssyncadd.tile.s32 @!p0 $0x1;
	_ =	shalt  }
.Lfunc_end2:
_tile_overlayer_lowered:
.L_overlay_start_2:
0x25: {  	(tag) =	ssettag $0x2  }
0x26: {  	s0 =	rddreg [dreg:$0x0];
	s2 =	stileid.u32  }
0x27: {  	s1 =	rddreg [dreg:$0x1];
	p0 =	sne.s32 s2, $0x0  }
0x28: {  	s3 =	rddreg [dreg:$0x2];
	[bflag:$0x3] =	sbarrier.arrive $0xFFFF;
	s2 =	simm.s32 @!p0 $0x1C03  }
0x29: {  	[timem:s3], [sflag:s2] =	dma.local @!p0 [hbm:s0], s1  }
0x2a: {  	s0 =	simm.s32 @!p0 $0x3  }
0x2b: {  	_ =	swait.ge @!p0 [sflag:s0], s1  }
0x2c: {  	s1 =	ssub.s32 @!p0 $0x0, s1;
	[sflag:s0] =	ssyncset.done @!p0 $0x0  }
0x2d: {  	[sflag:s0] =	ssyncadd.s32 @!p0 s1  }
0x2e: {  	[bflag:$0x3] =	sbarrier.arrive $0xFFFF  }
0x2f: {  	_ =	shalt  }

</sc_bundles>
